<compile_context>
chip_gen: v7x
topology: tpu7x:2x2x1
jax: 0.10.2.dev20260603
libtpu: 0.0.44.dev20260713+nightly
codegen_flags: <defaults>
</compile_context>

<pallas_src>
import functools

import jax
import jax.numpy as jnp
from jax import lax
from jax.experimental import pallas as pl
from jax.experimental.pallas import tpu as pltpu
from jax.experimental.pallas import tpu_sc as plsc

N = 10000
D = 256
NE = 16
K = 4
G = 512
ATOM_V = 100
NAF = 9
TAB = NAF * ATOM_V

NC = 2
NS = 16
NW = NC * NS
CPW = 320
NPAD = NW * CPW
GA = G + 8


NBLK = 8
BLK = NPAD // NBLK


def _logits_body(x_ref, emb_ref, w_ref, out_ref):
    xb = x_ref[...]
    vocab = lax.broadcasted_iota(jnp.int32, (BLK, ATOM_V), 1)
    oh = jnp.concatenate(
        [(xb[:, f:f + 1] == vocab).astype(jnp.bfloat16) for f in range(NAF)],
        axis=1)

    e = emb_ref[...]
    hi = e.astype(jnp.bfloat16)
    r1 = e - hi.astype(jnp.float32)
    mid = r1.astype(jnp.bfloat16)
    lo = (r1 - mid.astype(jnp.float32)).astype(jnp.bfloat16)

    h = jnp.dot(oh, hi, preferred_element_type=jnp.float32)
    h = h + jnp.dot(oh, mid, preferred_element_type=jnp.float32)
    h = h + jnp.dot(oh, lo, preferred_element_type=jnp.float32)

    hb = h.astype(jnp.bfloat16)
    wb = w_ref[...].astype(jnp.bfloat16)
    out_ref[...] = jnp.dot(hb, wb, preferred_element_type=jnp.float32)


def _node_logits(xpad, emb_flat, w_gate):
    return pl.pallas_call(
        _logits_body,
        grid=(NBLK,),
        in_specs=[
            pl.BlockSpec((BLK, 16), lambda i: (i, 0)),
            pl.BlockSpec((TAB, D), lambda i: (0, 0)),
            pl.BlockSpec((D, NE), lambda i: (0, 0)),
        ],
        out_specs=pl.BlockSpec((BLK, NE), lambda i: (i, 0)),
        out_shape=jax.ShapeDtypeStruct((NPAD, NE), jnp.float32),
    )(xpad, emb_flat, w_gate)


def _sc_body(log_hbm, scat_hbm, psum_hbm, pcnt_hbm,
             log_v, scat_v, acc_v, cacc_v, sem2):
    wid = lax.axis_index("s") * NC + lax.axis_index("c")
    lanes = lax.iota(jnp.int32, 16)
    zero = jnp.zeros((16,), jnp.float32)
    e0 = jnp.where(lanes == 0, 1.0, 0.0).astype(jnp.float32)

    cp_log = pltpu.async_copy(
        log_hbm.at[pl.ds(wid * CPW, CPW), :], log_v, sem2)
    cp_scat = pltpu.async_copy(
        scat_hbm.at[pl.ds(wid * CPW, CPW), :], scat_v, sem2)

    def _zero(i, _):
        acc_v[pl.ds(i * NE, NE)] = zero
        cacc_v[pl.ds(i * NE, NE)] = zero
        return 0
    lax.fori_loop(0, GA, _zero, 0)

    cp_log.wait()
    cp_scat.wait()

    def _node(n, _):
        r = log_v[n, :]
        sidx = scat_v[n, :]
        plsc.addupdate_scatter(acc_v, [sidx], r)
        plsc.addupdate_scatter(cacc_v, [sidx], e0)
        return 0
    lax.fori_loop(0, CPW, _node, 0)

    cp_a = pltpu.async_copy(acc_v, psum_hbm.at[wid], sem2)
    cp_b = pltpu.async_copy(cacc_v, pcnt_hbm.at[wid], sem2)
    cp_a.wait()
    cp_b.wait()


@functools.partial(
    pl.kernel,
    out_type=[
        jax.ShapeDtypeStruct((NW, GA * NE), jnp.float32),
        jax.ShapeDtypeStruct((NW, GA * NE), jnp.float32),
    ],
    mesh=plsc.VectorSubcoreMesh(core_axis_name="c", subcore_axis_name="s"),
    compiler_params=pltpu.CompilerParams(
        needs_layout_passes=False, use_tc_tiling_on_sc=False),
    scratch_types=[
        pltpu.VMEM((CPW, NE), jnp.float32),
        pltpu.VMEM((CPW, NE), jnp.int32),
        pltpu.VMEM((GA * NE,), jnp.float32),
        pltpu.VMEM((GA * NE,), jnp.float32),
        pltpu.SemaphoreType.DMA,
    ],
)
def _sc_segment_sum(log_hbm, scat_hbm, psum_hbm, pcnt_hbm,
                    log_v, scat_v, acc_v, cacc_v, sem2):
    _sc_body(log_hbm, scat_hbm, psum_hbm, pcnt_hbm,
             log_v, scat_v, acc_v, cacc_v, sem2)


def _cv_sq(v):
    m = jnp.mean(v)
    var = jnp.sum((v - m) ** 2) / (NE - 1)
    return var / (m * m + 1e-10)


def _final_body(psum_ref, pcnt_ref, gates_ref, load_ref, loss_ref):
    sums = jnp.sum(psum_ref[...], axis=0)[:G, :]
    counts = jnp.sum(pcnt_ref[...], axis=0)[:G, 0:1]
    logits = sums / jnp.maximum(counts, 1.0)

    neg = jnp.float32(-3.0e38)
    lane2d = lax.broadcasted_iota(jnp.int32, (G, NE), 1)
    work = logits
    gates = jnp.zeros((G, NE), jnp.float32)
    vals = []
    masks = []
    for _ in range(K):
        m = jnp.max(work, axis=1, keepdims=True)
        ism = work == m
        lo = jnp.min(jnp.where(ism, lane2d, NE), axis=1, keepdims=True)
        first = lane2d == lo
        vals.append(m)
        masks.append(first)
        work = jnp.where(first, neg, work)
    v0 = vals[0]
    exps = [jnp.exp(v - v0) for v in vals]
    denom = exps[0]
    for e in exps[1:]:
        denom = denom + e
    for e, msk in zip(exps, masks):
        gates = jnp.where(msk, e / denom, gates)
    gates_ref[...] = gates

    loadf = jnp.sum((gates > 0).astype(jnp.float32), axis=0, keepdims=True)
    load_ref[...] = loadf.astype(jnp.int32)
    importance = jnp.sum(gates, axis=0)
    loss = (_cv_sq(importance) + _cv_sq(jnp.sum(loadf, axis=0))) * 0.001
    loss_ref[...] = jnp.full((1, 1), loss, jnp.float32)


def _finalize(psum, pcnt):
    return pl.pallas_call(
        _final_body,
        out_shape=(
            jax.ShapeDtypeStruct((G, NE), jnp.float32),
            jax.ShapeDtypeStruct((1, NE), jnp.int32),
            jax.ShapeDtypeStruct((1, 1), jnp.float32),
        ),
    )(psum, pcnt)


def kernel(x, edge_index, edge_attr, batch, atom_emb, bond_emb, w_gate, w_noise):
    del edge_index, edge_attr, bond_emb, w_noise

    xpad = jnp.pad(x, ((0, NPAD - N), (0, 16 - NAF)))
    logits = _node_logits(xpad, atom_emb.reshape(TAB, D), w_gate)

    scat = jnp.pad(batch, (0, NPAD - N), constant_values=G)
    lanes = jnp.arange(NE, dtype=jnp.int32)[None, :]
    scat16 = (scat[:, None].astype(jnp.int32) * NE + lanes)

    psum, pcnt = _sc_segment_sum(logits, scat16)
    psum = psum.reshape(NW, GA, NE)
    pcnt = pcnt.reshape(NW, GA, NE)

    gates, load2d, loss2d = _finalize(psum, pcnt)
    return gates, load2d.reshape(NE), loss2d.reshape(())

# --- scband reference (transcript-rebuilt; emitter-appended) ---
"""Pipeline reference for scband-mo-e-ogb-83511344103763 (READ-ONLY COPY).

The authoritative reference and input builder live on the scoring server;
editing this copy changes nothing except your own understanding.
"""

import jax, jax.numpy as jnp
import numpy as np

N = 10000
E_EDGES = 160000
D = 256
NE = 16
K = 4
G = 512
ATOM_V = 100
BOND_V = 8
NAF = 9
NBF = 3


def cv_squared(v):
    v = v.astype(jnp.float32)
    return jnp.var(v, ddof=1) / (jnp.mean(v) ** 2 + 1e-10)


def setup_inputs(seed: int = 0):
    key = jax.random.key(seed)
    ks = jax.random.split(key, 8)
    x = jax.random.randint(ks[0], (N, NAF), 0, ATOM_V, dtype=jnp.int32)
    edge_index = jax.random.randint(ks[1], (2, E_EDGES), 0, N, dtype=jnp.int32)
    edge_attr = jax.random.randint(ks[2], (E_EDGES, NBF), 0, BOND_V, dtype=jnp.int32)
    batch = jnp.sort(jax.random.randint(ks[3], (N,), 0, G, dtype=jnp.int32))
    atom_emb = jax.random.normal(ks[4], (NAF, ATOM_V, D), dtype=jnp.float32) * 0.02
    bond_emb = jax.random.normal(ks[5], (NBF, BOND_V, D), dtype=jnp.float32) * 0.02
    w_gate = jax.random.normal(ks[6], (D, NE), dtype=jnp.float32) * 0.02
    w_noise = jax.random.normal(ks[7], (D, NE), dtype=jnp.float32) * 0.02
    return {"x": x, "edge_index": edge_index, "edge_attr": edge_attr, "batch": batch,
            "atom_emb": atom_emb, "bond_emb": bond_emb, "w_gate": w_gate, "w_noise": w_noise}


def reference(x, edge_index, edge_attr, batch, atom_emb, bond_emb, w_gate, w_noise):
    # AtomEncoder: sum of per-feature embedding lookups
    h = jnp.zeros((N, D), dtype=jnp.float32)
    for f in range(NAF):
        h = h + atom_emb[f][x[:, f]]
    # BondEncoder (computed as in original forward; unused by the 'liner' gate path)
    e = jnp.zeros((E_EDGES, D), dtype=jnp.float32)
    for f in range(NBF):
        e = e + bond_emb[f][edge_attr[:, f]]
    # liner gate: per-node logits then global_mean_pool over graphs
    node_logits = h @ w_gate
    sums = jax.ops.segment_sum(node_logits, batch, num_segments=G)
    counts = jax.ops.segment_sum(jnp.ones((N,), dtype=jnp.float32), batch, num_segments=G)
    clean_logits = sums / jnp.maximum(counts, 1.0)[:, None]
    # eval mode (train=False): logits = clean_logits, no noise
    logits = clean_logits
    top_logits, top_indices = jax.lax.top_k(logits, min(K + 1, NE))
    top_k_logits = top_logits[:, :K]
    top_k_indices = top_indices[:, :K]
    top_k_gates = jax.nn.softmax(top_k_logits, axis=1)
    gates = jnp.zeros((G, NE), dtype=jnp.float32).at[
        jnp.arange(G)[:, None], top_k_indices].set(top_k_gates)
    load = (gates > 0).sum(axis=0)
    importance = gates.sum(axis=0)
    loss = (cv_squared(importance) + cv_squared(load)) * 0.001
    return (gates, load, loss)

if __name__ == "__main__":
    import jax
    _d = setup_inputs()
    print(jax.jit(kernel)(*tuple(_d.values())))

</pallas_src>

<mosaic_0001>
#map = affine_map<(d0, d1) -> (0, 0)>
module attributes {stable_mosaic.version = 14 : i64} {
  func.func @_sc_segment_sum(%arg0: i32, %arg1: i32, %arg2: memref<10240x16xf32, #tpu.memory_space<hbm>>, %arg3: memref<10240x16xi32, #tpu.memory_space<hbm>>, %arg4: memref<32x8320xf32, #tpu.memory_space<hbm>>, %arg5: memref<32x8320xf32, #tpu.memory_space<hbm>>, %arg6: memref<320x16xf32, #tpu.memory_space<vmem>>, %arg7: memref<320x16xi32, #tpu.memory_space<vmem>>, %arg8: memref<8320xf32, #tpu.memory_space<vmem>>, %arg9: memref<8320xf32, #tpu.memory_space<vmem>>, %arg10: memref<!tpu.dma_semaphore, #tpu.memory_space<semaphore_mem>>) attributes {dimension_semantics = [#tpu.dimension_semantics<core_parallel>, #tpu.dimension_semantics<subcore_parallel>], iteration_bounds = array<i64: 2, 16>, scalar_prefetch = 0 : i64, scratch_operands = 5 : i64, tpu.core_type = #tpu.core_type<sc_vector_subcore>, window_params = [{transform_indices = #map}, {transform_indices = #map}, {transform_indices = #map}, {transform_indices = #map}]} {
    %mul3A = arith.constant 2 : i32
    %mul3A_0 = arith.muli %arg1, %mul3A : i32
    %add3A = arith.addi %mul3A_0, %arg0 : i32
    %iota3A = tpu.iota {dimensions = array<i32: 0>} : vector<16xi32>
    %broadcast_in_dim3A = arith.constant 0.000000e+00 : f32
    %broadcast_in_dim3A_1 = vector.broadcast %broadcast_in_dim3A : f32 to vector<16xf32>
    %eq3A = arith.constant 0 : i32
    %eq3A_2 = vector.broadcast %eq3A : i32 to vector<16xi32>
    %eq3A_3 = arith.cmpi eq, %iota3A, %eq3A_2 : vector<16xi32>
    %jit3A = arith.constant 1.000000e+00 : f32
    %jit3A_4 = arith.constant 0.000000e+00 : f32
    %broadcast_in_dim3A_5 = vector.broadcast %jit3A : f32 to vector<16xf32>
    %broadcast_in_dim3A_6 = vector.broadcast %jit3A_4 : f32 to vector<16xf32>
    %select_n3A = arith.select %eq3A_3, %broadcast_in_dim3A_5, %broadcast_in_dim3A_6 : vector<16xi1>, vector<16xf32>
    %mul3A_7 = arith.constant 320 : i32
    %mul3A_8 = arith.muli %add3A, %mul3A_7 : i32
    %dma_start3A = arith.constant 0 : i32
    %dma_start3A_9 = tpu.memref_slice %arg2[%mul3A_8, %dma_start3A] : memref<10240x16xf32, #tpu.memory_space<hbm>> -> memref<320x16xf32, #tpu.memory_space<hbm>>
    %dma_start3A_10 = arith.constant 0 : i32
    %dma_start3A_11 = tpu.memref_slice %arg2[%mul3A_8, %dma_start3A_10] : memref<10240x16xf32, #tpu.memory_space<hbm>> -> memref<320x16xf32, #tpu.memory_space<hbm>>
    tpu.enqueue_dma source(%dma_start3A_11 : memref<320x16xf32, #tpu.memory_space<hbm>>) target(%arg6 : memref<320x16xf32, #tpu.memory_space<vmem>>) target_semaphore(%arg10 : memref<!tpu.dma_semaphore, #tpu.memory_space<semaphore_mem>>)
    %mul3A_12 = arith.constant 320 : i32
    %mul3A_13 = arith.muli %add3A, %mul3A_12 : i32
    %dma_start3A_14 = arith.constant 0 : i32
    %dma_start3A_15 = tpu.memref_slice %arg3[%mul3A_13, %dma_start3A_14] : memref<10240x16xi32, #tpu.memory_space<hbm>> -> memref<320x16xi32, #tpu.memory_space<hbm>>
    %dma_start3A_16 = arith.constant 0 : i32
    %dma_start3A_17 = tpu.memref_slice %arg3[%mul3A_13, %dma_start3A_16] : memref<10240x16xi32, #tpu.memory_space<hbm>> -> memref<320x16xi32, #tpu.memory_space<hbm>>
    tpu.enqueue_dma source(%dma_start3A_17 : memref<320x16xi32, #tpu.memory_space<hbm>>) target(%arg7 : memref<320x16xi32, #tpu.memory_space<vmem>>) target_semaphore(%arg10 : memref<!tpu.dma_semaphore, #tpu.memory_space<semaphore_mem>>)
    %scan3A = arith.constant 0 : i32
    %scan3A_18 = arith.constant 0 : i32
    %scan3A_19 = arith.constant 520 : i32
    %scan3A_20 = arith.addi %scan3A_18, %scan3A_19 : i32
    %scan3A_21 = arith.constant 1 : i32
    %scan3A_22 = scf.for %scan3A_62 = %scan3A_18 to %scan3A_20 step %scan3A_21 iter_args(%scan3A_63 = %scan3A) -> (i32)  : i32 {
      %mul3A_64 = arith.constant 16 : i32
      %mul3A_65 = arith.muli %scan3A_62, %mul3A_64 : i32
      %swap3A = arith.index_cast %mul3A_65 : i32 to index
      %swap3A_66 = tpu.vector_load %arg8[%swap3A] {strides = array<i32>} : memref<8320xf32, #tpu.memory_space<vmem>>, vector<16xf32>,
      tpu.vector_store %arg8[%swap3A], %broadcast_in_dim3A_1 {strides = array<i32>} : memref<8320xf32, #tpu.memory_space<vmem>>, vector<16xf32>,
      %mul3A_67 = arith.constant 16 : i32
      %mul3A_68 = arith.muli %scan3A_62, %mul3A_67 : i32
      %swap3A_69 = arith.index_cast %mul3A_68 : i32 to index
      %swap3A_70 = tpu.vector_load %arg9[%swap3A_69] {strides = array<i32>} : memref<8320xf32, #tpu.memory_space<vmem>>, vector<16xf32>,
      tpu.vector_store %arg9[%swap3A_69], %broadcast_in_dim3A_1 {strides = array<i32>} : memref<8320xf32, #tpu.memory_space<vmem>>, vector<16xf32>,
      %scan3A_71 = arith.constant 0 : i32
      scf.yield %scan3A_71 : i32
    }
    %scan3A_23 = arith.constant 520 : i32
    %dma_wait3A = arith.constant 0 : i32
    %dma_wait3A_24 = tpu.memref_slice %arg2[%mul3A_8, %dma_wait3A] : memref<10240x16xf32, #tpu.memory_space<hbm>> -> memref<320x16xf32, #tpu.memory_space<hbm>>
    %dma_wait3A_25 = arith.constant 0 : i32
    %dma_wait3A_26 = tpu.memref_slice %arg2[%mul3A_8, %dma_wait3A_25] : memref<10240x16xf32, #tpu.memory_space<hbm>> -> memref<320x16xf32, #tpu.memory_space<hbm>>
    tpu.wait_dma2 semaphore(%arg10 : memref<!tpu.dma_semaphore, #tpu.memory_space<semaphore_mem>>) src(%dma_wait3A_26 : memref<320x16xf32, #tpu.memory_space<hbm>>) dst(%arg6 : memref<320x16xf32, #tpu.memory_space<vmem>>)
    %dma_wait3A_27 = arith.constant 0 : i32
    %dma_wait3A_28 = tpu.memref_slice %arg3[%mul3A_13, %dma_wait3A_27] : memref<10240x16xi32, #tpu.memory_space<hbm>> -> memref<320x16xi32, #tpu.memory_space<hbm>>
    %dma_wait3A_29 = arith.constant 0 : i32
    %dma_wait3A_30 = tpu.memref_slice %arg3[%mul3A_13, %dma_wait3A_29] : memref<10240x16xi32, #tpu.memory_space<hbm>> -> memref<320x16xi32, #tpu.memory_space<hbm>>
    tpu.wait_dma2 semaphore(%arg10 : memref<!tpu.dma_semaphore, #tpu.memory_space<semaphore_mem>>) src(%dma_wait3A_30 : memref<320x16xi32, #tpu.memory_space<hbm>>) dst(%arg7 : memref<320x16xi32, #tpu.memory_space<vmem>>)
    %scan3A_31 = arith.constant 0 : i32
    %scan3A_32 = arith.constant 0 : i32
    %scan3A_33 = arith.constant 320 : i32
    %scan3A_34 = arith.addi %scan3A_32, %scan3A_33 : i32
    %scan3A_35 = arith.constant 1 : i32
    %scan3A_36 = scf.for %scan3A_62 = %scan3A_32 to %scan3A_34 step %scan3A_35 iter_args(%scan3A_63 = %scan3A_31) -> (i32)  : i32 {
      %get3A = arith.index_cast %scan3A_62 : i32 to index
      %get3A_64 = arith.constant 0 : index
      %get3A_65 = tpu.vector_load %arg6[%get3A, %get3A_64] {strides = array<i32>} : memref<320x16xf32, #tpu.memory_space<vmem>>, vector<16xf32>,
      %get3A_66 = arith.index_cast %scan3A_62 : i32 to index
      %get3A_67 = arith.constant 0 : index
      %get3A_68 = tpu.vector_load %arg7[%get3A_66, %get3A_67] {strides = array<i32>} : memref<320x16xi32, #tpu.memory_space<vmem>>, vector<16xi32>,
      tpu.vector_store_idx %arg8[%get3A_68], %get3A_65 {add = true} : memref<8320xf32, #tpu.memory_space<vmem>>[vector<16xi32>], vector<16xf32>,
      tpu.vector_store_idx %arg9[%get3A_68], %select_n3A {add = true} : memref<8320xf32, #tpu.memory_space<vmem>>[vector<16xi32>], vector<16xf32>,
      %scan3A_69 = arith.constant 0 : i32
      scf.yield %scan3A_69 : i32
    }
    %scan3A_37 = arith.constant 320 : i32
    %dma_start3A_38 = arith.constant 0 : i32
    %dma_start3A_39 = tpu.memref_slice %arg4[%add3A, %dma_start3A_38] : memref<32x8320xf32, #tpu.memory_space<hbm>> -> memref<1x8320xf32, #tpu.memory_space<hbm>>
    %dma_start3A_40 = tpu.memref_squeeze %dma_start3A_39 : memref<1x8320xf32, #tpu.memory_space<hbm>> -> memref<8320xf32, #tpu.memory_space<hbm>>
    %dma_start3A_41 = arith.constant 0 : i32
    %dma_start3A_42 = tpu.memref_slice %arg4[%add3A, %dma_start3A_41] : memref<32x8320xf32, #tpu.memory_space<hbm>> -> memref<1x8320xf32, #tpu.memory_space<hbm>>
    %dma_start3A_43 = tpu.memref_squeeze %dma_start3A_42 : memref<1x8320xf32, #tpu.memory_space<hbm>> -> memref<8320xf32, #tpu.memory_space<hbm>>
    tpu.enqueue_dma source(%arg8 : memref<8320xf32, #tpu.memory_space<vmem>>) target(%dma_start3A_43 : memref<8320xf32, #tpu.memory_space<hbm>>) target_semaphore(%arg10 : memref<!tpu.dma_semaphore, #tpu.memory_space<semaphore_mem>>)
    %dma_start3A_44 = arith.constant 0 : i32
    %dma_start3A_45 = tpu.memref_slice %arg5[%add3A, %dma_start3A_44] : memref<32x8320xf32, #tpu.memory_space<hbm>> -> memref<1x8320xf32, #tpu.memory_space<hbm>>
    %dma_start3A_46 = tpu.memref_squeeze %dma_start3A_45 : memref<1x8320xf32, #tpu.memory_space<hbm>> -> memref<8320xf32, #tpu.memory_space<hbm>>
    %dma_start3A_47 = arith.constant 0 : i32
    %dma_start3A_48 = tpu.memref_slice %arg5[%add3A, %dma_start3A_47] : memref<32x8320xf32, #tpu.memory_space<hbm>> -> memref<1x8320xf32, #tpu.memory_space<hbm>>
    %dma_start3A_49 = tpu.memref_squeeze %dma_start3A_48 : memref<1x8320xf32, #tpu.memory_space<hbm>> -> memref<8320xf32, #tpu.memory_space<hbm>>
    tpu.enqueue_dma source(%arg9 : memref<8320xf32, #tpu.memory_space<vmem>>) target(%dma_start3A_49 : memref<8320xf32, #tpu.memory_space<hbm>>) target_semaphore(%arg10 : memref<!tpu.dma_semaphore, #tpu.memory_space<semaphore_mem>>)
    %dma_wait3A_50 = arith.constant 0 : i32
    %dma_wait3A_51 = tpu.memref_slice %arg4[%add3A, %dma_wait3A_50] : memref<32x8320xf32, #tpu.memory_space<hbm>> -> memref<1x8320xf32, #tpu.memory_space<hbm>>
    %dma_wait3A_52 = tpu.memref_squeeze %dma_wait3A_51 : memref<1x8320xf32, #tpu.memory_space<hbm>> -> memref<8320xf32, #tpu.memory_space<hbm>>
    %dma_wait3A_53 = arith.constant 0 : i32
    %dma_wait3A_54 = tpu.memref_slice %arg4[%add3A, %dma_wait3A_53] : memref<32x8320xf32, #tpu.memory_space<hbm>> -> memref<1x8320xf32, #tpu.memory_space<hbm>>
    %dma_wait3A_55 = tpu.memref_squeeze %dma_wait3A_54 : memref<1x8320xf32, #tpu.memory_space<hbm>> -> memref<8320xf32, #tpu.memory_space<hbm>>
    tpu.wait_dma2 semaphore(%arg10 : memref<!tpu.dma_semaphore, #tpu.memory_space<semaphore_mem>>) src(%arg8 : memref<8320xf32, #tpu.memory_space<vmem>>) dst(%dma_wait3A_55 : memref<8320xf32, #tpu.memory_space<hbm>>)
    %dma_wait3A_56 = arith.constant 0 : i32
    %dma_wait3A_57 = tpu.memref_slice %arg5[%add3A, %dma_wait3A_56] : memref<32x8320xf32, #tpu.memory_space<hbm>> -> memref<1x8320xf32, #tpu.memory_space<hbm>>
    %dma_wait3A_58 = tpu.memref_squeeze %dma_wait3A_57 : memref<1x8320xf32, #tpu.memory_space<hbm>> -> memref<8320xf32, #tpu.memory_space<hbm>>
    %dma_wait3A_59 = arith.constant 0 : i32
    %dma_wait3A_60 = tpu.memref_slice %arg5[%add3A, %dma_wait3A_59] : memref<32x8320xf32, #tpu.memory_space<hbm>> -> memref<1x8320xf32, #tpu.memory_space<hbm>>
    %dma_wait3A_61 = tpu.memref_squeeze %dma_wait3A_60 : memref<1x8320xf32, #tpu.memory_space<hbm>> -> memref<8320xf32, #tpu.memory_space<hbm>>
    tpu.wait_dma2 semaphore(%arg10 : memref<!tpu.dma_semaphore, #tpu.memory_space<semaphore_mem>>) src(%arg9 : memref<8320xf32, #tpu.memory_space<vmem>>) dst(%dma_wait3A_61 : memref<8320xf32, #tpu.memory_space<hbm>>)
    return
  }
}

module attributes {stable_mosaic.version = 14 : i64} {
  func.func @_logits_body(%arg0: i32, %arg1: memref<1280x16xi32, #tpu.memory_space<vmem>>, %arg2: memref<900x256xf32, #tpu.memory_space<vmem>>, %arg3: memref<256x16xf32, #tpu.memory_space<vmem>>, %arg4: memref<1280x16xf32, #tpu.memory_space<vmem>>) attributes {dimension_semantics = [#tpu.dimension_semantics<arbitrary>], iteration_bounds = array<i64: 8>, scalar_prefetch = 0 : i64, scratch_operands = 0 : i64, tpu.core_type = #tpu.core_type<tc>, window_params = [{transform_indices = @transform_0, window_bounds = array<i64: 1280, 16>}, {pipeline_mode = #tpu.pipeline_mode<synchronous>, transform_indices = @transform_1, window_bounds = array<i64: 900, 256>}, {pipeline_mode = #tpu.pipeline_mode<synchronous>, transform_indices = @transform_2, window_bounds = array<i64: 256, 16>}, {transform_indices = @transform_3, window_bounds = array<i64: 1280, 16>}]} {
    %get3A = arith.constant 0 : index
    %get3A_0 = arith.constant 0 : index
    %get3A_1 = vector.load %arg1[%get3A, %get3A_0] : memref<1280x16xi32, #tpu.memory_space<vmem>>, vector<1280x16xi32>
    %iota3A = tpu.iota {dimensions = array<i32: 1>} : vector<1280x100xi32>
    %slice3A = vector.extract_strided_slice %get3A_1 {offsets = [0, 0], sizes = [1280, 1], strides = [1, 1]} : vector<1280x16xi32> to vector<1280x1xi32>
    %eq3A = vector.broadcast %slice3A : vector<1280x1xi32> to vector<1280x100xi32>
    %eq3A_2 = arith.cmpi eq, %eq3A, %iota3A : vector<1280x100xi32>
    %convert_element_type3A = arith.extui %eq3A_2 : vector<1280x100xi1> to vector<1280x100xi32>
    %convert_element_type3A_3 = arith.sitofp %convert_element_type3A : vector<1280x100xi32> to vector<1280x100xf32>
    %convert_element_type3A_4 = arith.truncf %convert_element_type3A_3 : vector<1280x100xf32> to vector<1280x100xbf16>
    %slice3A_5 = vector.extract_strided_slice %get3A_1 {offsets = [0, 1], sizes = [1280, 1], strides = [1, 1]} : vector<1280x16xi32> to vector<1280x1xi32>
    %eq3A_6 = vector.broadcast %slice3A_5 : vector<1280x1xi32> to vector<1280x100xi32>
    %eq3A_7 = arith.cmpi eq, %eq3A_6, %iota3A : vector<1280x100xi32>
    %convert_element_type3A_8 = arith.extui %eq3A_7 : vector<1280x100xi1> to vector<1280x100xi32>
    %convert_element_type3A_9 = arith.sitofp %convert_element_type3A_8 : vector<1280x100xi32> to vector<1280x100xf32>
    %convert_element_type3A_10 = arith.truncf %convert_element_type3A_9 : vector<1280x100xf32> to vector<1280x100xbf16>
    %slice3A_11 = vector.extract_strided_slice %get3A_1 {offsets = [0, 2], sizes = [1280, 1], strides = [1, 1]} : vector<1280x16xi32> to vector<1280x1xi32>
    %eq3A_12 = vector.broadcast %slice3A_11 : vector<1280x1xi32> to vector<1280x100xi32>
    %eq3A_13 = arith.cmpi eq, %eq3A_12, %iota3A : vector<1280x100xi32>
    %convert_element_type3A_14 = arith.extui %eq3A_13 : vector<1280x100xi1> to vector<1280x100xi32>
    %convert_element_type3A_15 = arith.sitofp %convert_element_type3A_14 : vector<1280x100xi32> to vector<1280x100xf32>
    %convert_element_type3A_16 = arith.truncf %convert_element_type3A_15 : vector<1280x100xf32> to vector<1280x100xbf16>
    %slice3A_17 = vector.extract_strided_slice %get3A_1 {offsets = [0, 3], sizes = [1280, 1], strides = [1, 1]} : vector<1280x16xi32> to vector<1280x1xi32>
    %eq3A_18 = vector.broadcast %slice3A_17 : vector<1280x1xi32> to vector<1280x100xi32>
    %eq3A_19 = arith.cmpi eq, %eq3A_18, %iota3A : vector<1280x100xi32>
    %convert_element_type3A_20 = arith.extui %eq3A_19 : vector<1280x100xi1> to vector<1280x100xi32>
    %convert_element_type3A_21 = arith.sitofp %convert_element_type3A_20 : vector<1280x100xi32> to vector<1280x100xf32>
    %convert_element_type3A_22 = arith.truncf %convert_element_type3A_21 : vector<1280x100xf32> to vector<1280x100xbf16>
    %slice3A_23 = vector.extract_strided_slice %get3A_1 {offsets = [0, 4], sizes = [1280, 1], strides = [1, 1]} : vector<1280x16xi32> to vector<1280x1xi32>
    %eq3A_24 = vector.broadcast %slice3A_23 : vector<1280x1xi32> to vector<1280x100xi32>
    %eq3A_25 = arith.cmpi eq, %eq3A_24, %iota3A : vector<1280x100xi32>
    %convert_element_type3A_26 = arith.extui %eq3A_25 : vector<1280x100xi1> to vector<1280x100xi32>
    %convert_element_type3A_27 = arith.sitofp %convert_element_type3A_26 : vector<1280x100xi32> to vector<1280x100xf32>
    %convert_element_type3A_28 = arith.truncf %convert_element_type3A_27 : vector<1280x100xf32> to vector<1280x100xbf16>
    %slice3A_29 = vector.extract_strided_slice %get3A_1 {offsets = [0, 5], sizes = [1280, 1], strides = [1, 1]} : vector<1280x16xi32> to vector<1280x1xi32>
    %eq3A_30 = vector.broadcast %slice3A_29 : vector<1280x1xi32> to vector<1280x100xi32>
    %eq3A_31 = arith.cmpi eq, %eq3A_30, %iota3A : vector<1280x100xi32>
    %convert_element_type3A_32 = arith.extui %eq3A_31 : vector<1280x100xi1> to vector<1280x100xi32>
    %convert_element_type3A_33 = arith.sitofp %convert_element_type3A_32 : vector<1280x100xi32> to vector<1280x100xf32>
    %convert_element_type3A_34 = arith.truncf %convert_element_type3A_33 : vector<1280x100xf32> to vector<1280x100xbf16>
    %slice3A_35 = vector.extract_strided_slice %get3A_1 {offsets = [0, 6], sizes = [1280, 1], strides = [1, 1]} : vector<1280x16xi32> to vector<1280x1xi32>
    %eq3A_36 = vector.broadcast %slice3A_35 : vector<1280x1xi32> to vector<1280x100xi32>
    %eq3A_37 = arith.cmpi eq, %eq3A_36, %iota3A : vector<1280x100xi32>
    %convert_element_type3A_38 = arith.extui %eq3A_37 : vector<1280x100xi1> to vector<1280x100xi32>
    %convert_element_type3A_39 = arith.sitofp %convert_element_type3A_38 : vector<1280x100xi32> to vector<1280x100xf32>
    %convert_element_type3A_40 = arith.truncf %convert_element_type3A_39 : vector<1280x100xf32> to vector<1280x100xbf16>
    %slice3A_41 = vector.extract_strided_slice %get3A_1 {offsets = [0, 7], sizes = [1280, 1], strides = [1, 1]} : vector<1280x16xi32> to vector<1280x1xi32>
    %eq3A_42 = vector.broadcast %slice3A_41 : vector<1280x1xi32> to vector<1280x100xi32>
    %eq3A_43 = arith.cmpi eq, %eq3A_42, %iota3A : vector<1280x100xi32>
    %convert_element_type3A_44 = arith.extui %eq3A_43 : vector<1280x100xi1> to vector<1280x100xi32>
    %convert_element_type3A_45 = arith.sitofp %convert_element_type3A_44 : vector<1280x100xi32> to vector<1280x100xf32>
    %convert_element_type3A_46 = arith.truncf %convert_element_type3A_45 : vector<1280x100xf32> to vector<1280x100xbf16>
    %slice3A_47 = vector.extract_strided_slice %get3A_1 {offsets = [0, 8], sizes = [1280, 1], strides = [1, 1]} : vector<1280x16xi32> to vector<1280x1xi32>
    %eq3A_48 = vector.broadcast %slice3A_47 : vector<1280x1xi32> to vector<1280x100xi32>
    %eq3A_49 = arith.cmpi eq, %eq3A_48, %iota3A : vector<1280x100xi32>
    %convert_element_type3A_50 = arith.extui %eq3A_49 : vector<1280x100xi1> to vector<1280x100xi32>
    %convert_element_type3A_51 = arith.sitofp %convert_element_type3A_50 : vector<1280x100xi32> to vector<1280x100xf32>
    %convert_element_type3A_52 = arith.truncf %convert_element_type3A_51 : vector<1280x100xf32> to vector<1280x100xbf16>
    %concatenate3A = tpu.concatenate %convert_element_type3A_4, %convert_element_type3A_10, %convert_element_type3A_16, %convert_element_type3A_22, %convert_element_type3A_28, %convert_element_type3A_34, %convert_element_type3A_40, %convert_element_type3A_46, %convert_element_type3A_52 in 1 : vector<1280x100xbf16>, vector<1280x100xbf16>, vector<1280x100xbf16>, vector<1280x100xbf16>, vector<1280x100xbf16>, vector<1280x100xbf16>, vector<1280x100xbf16>, vector<1280x100xbf16>, vector<1280x100xbf16> -> vector<1280x900xbf16>
    %get3A_53 = arith.constant 0 : index
    %get3A_54 = arith.constant 0 : index
    %get3A_55 = vector.load %arg2[%get3A_53, %get3A_54] : memref<900x256xf32, #tpu.memory_space<vmem>>, vector<900x256xf32>
    %convert_element_type3A_56 = arith.truncf %get3A_55 : vector<900x256xf32> to vector<900x256xbf16>
    %convert_element_type3A_57 = arith.extf %convert_element_type3A_56 : vector<900x256xbf16> to vector<900x256xf32>
    %sub3A = arith.subf %get3A_55, %convert_element_type3A_57 : vector<900x256xf32>
    %convert_element_type3A_58 = arith.truncf %sub3A : vector<900x256xf32> to vector<900x256xbf16>
    %convert_element_type3A_59 = arith.extf %convert_element_type3A_58 : vector<900x256xbf16> to vector<900x256xf32>
    %sub3A_60 = arith.subf %sub3A, %convert_element_type3A_59 : vector<900x256xf32>
    %convert_element_type3A_61 = arith.truncf %sub3A_60 : vector<900x256xf32> to vector<900x256xbf16>
    %dot_general3A = arith.constant dense<0.000000e+00> : vector<1280x256xf32>
    %dot_general3A_62 = tpu.matmul %concatenate3A, %convert_element_type3A_56, %dot_general3A {dimension_numbers = #tpu.dot_dimension_numbers<[1], [0], [0], [1], [0, 0, 1, 1], [], []>, transpose_lhs_hint = false} : vector<1280x900xbf16>, vector<900x256xbf16>, vector<1280x256xf32> -> vector<1280x256xf32>
    %dot_general3A_63 = arith.constant dense<0.000000e+00> : vector<1280x256xf32>
    %dot_general3A_64 = tpu.matmul %concatenate3A, %convert_element_type3A_58, %dot_general3A_63 {dimension_numbers = #tpu.dot_dimension_numbers<[1], [0], [0], [1], [0, 0, 1, 1], [], []>, transpose_lhs_hint = false} : vector<1280x900xbf16>, vector<900x256xbf16>, vector<1280x256xf32> -> vector<1280x256xf32>
    %add3A = arith.addf %dot_general3A_62, %dot_general3A_64 : vector<1280x256xf32>
    %dot_general3A_65 = arith.constant dense<0.000000e+00> : vector<1280x256xf32>
    %dot_general3A_66 = tpu.matmul %concatenate3A, %convert_element_type3A_61, %dot_general3A_65 {dimension_numbers = #tpu.dot_dimension_numbers<[1], [0], [0], [1], [0, 0, 1, 1], [], []>, transpose_lhs_hint = false} : vector<1280x900xbf16>, vector<900x256xbf16>, vector<1280x256xf32> -> vector<1280x256xf32>
    %add3A_67 = arith.addf %add3A, %dot_general3A_66 : vector<1280x256xf32>
    %convert_element_type3A_68 = arith.truncf %add3A_67 : vector<1280x256xf32> to vector<1280x256xbf16>
    %get3A_69 = arith.constant 0 : index
    %get3A_70 = arith.constant 0 : index
    %get3A_71 = vector.load %arg3[%get3A_69, %get3A_70] : memref<256x16xf32, #tpu.memory_space<vmem>>, vector<256x16xf32>
    %convert_element_type3A_72 = arith.truncf %get3A_71 : vector<256x16xf32> to vector<256x16xbf16>
    %dot_general3A_73 = arith.constant dense<0.000000e+00> : vector<1280x16xf32>
    %dot_general3A_74 = tpu.matmul %convert_element_type3A_68, %convert_element_type3A_72, %dot_general3A_73 {dimension_numbers = #tpu.dot_dimension_numbers<[1], [0], [0], [1], [0, 0, 1, 1], [], []>, transpose_lhs_hint = false} : vector<1280x256xbf16>, vector<256x16xbf16>, vector<1280x16xf32> -> vector<1280x16xf32>
    %swap3A = arith.constant 0 : index
    %swap3A_75 = arith.constant 0 : index
    %swap3A_76 = vector.load %arg4[%swap3A, %swap3A_75] : memref<1280x16xf32, #tpu.memory_space<vmem>>, vector<1280x16xf32>
    tpu.vector_store %arg4[%swap3A, %swap3A_75], %dot_general3A_74 {strides = array<i32>} : memref<1280x16xf32, #tpu.memory_space<vmem>>, vector<1280x16xf32>,
    return
  }
  func.func @transform_0(%arg0: i32) -> (i32, i32) {
    %c0_i32 = arith.constant 0 : i32
    %c0_i32_0 = arith.constant 0 : i32
    return %arg0, %c0_i32 : i32, i32
  }
  func.func @transform_1(%arg0: i32) -> (i32, i32) {
    %c0_i32 = arith.constant 0 : i32
    %c0_i32_0 = arith.constant 0 : i32
    %c0_i32_1 = arith.constant 0 : i32
    return %c0_i32, %c0_i32_0 : i32, i32
  }
  func.func @transform_2(%arg0: i32) -> (i32, i32) {
    %c0_i32 = arith.constant 0 : i32
    %c0_i32_0 = arith.constant 0 : i32
    %c0_i32_1 = arith.constant 0 : i32
    return %c0_i32, %c0_i32_0 : i32, i32
  }
  func.func @transform_3(%arg0: i32) -> (i32, i32) {
    %c0_i32 = arith.constant 0 : i32
    %c0_i32_0 = arith.constant 0 : i32
    return %arg0, %c0_i32 : i32, i32
  }
}

module attributes {stable_mosaic.version = 14 : i64} {
  func.func @_final_body(%arg0: memref<32x520x16xf32, #tpu.memory_space<vmem>>, %arg1: memref<32x520x16xf32, #tpu.memory_space<vmem>>, %arg2: memref<512x16xf32, #tpu.memory_space<vmem>>, %arg3: memref<1x16xi32, #tpu.memory_space<vmem>>, %arg4: memref<1x1xf32, #tpu.memory_space<vmem>>) attributes {dimension_semantics = [], scalar_prefetch = 0 : i64, scratch_operands = 0 : i64, tpu.core_type = #tpu.core_type<tc>} {
    %get3A = arith.constant 0 : index
    %get3A_0 = arith.constant 0 : index
    %get3A_1 = arith.constant 0 : index
    %get3A_2 = vector.load %arg0[%get3A, %get3A_0, %get3A_1] : memref<32x520x16xf32, #tpu.memory_space<vmem>>, vector<32x520x16xf32>
    %reduce_sum3A = arith.constant dense<0.000000e+00> : vector<520x16xf32>
    %reduce_sum3A_3 = vector.multi_reduction <add>, %get3A_2, %reduce_sum3A [0] : vector<32x520x16xf32> to vector<520x16xf32>
    %slice3A = vector.extract_strided_slice %reduce_sum3A_3 {offsets = [0, 0], sizes = [512, 16], strides = [1, 1]} : vector<520x16xf32> to vector<512x16xf32>
    %get3A_4 = arith.constant 0 : index
    %get3A_5 = arith.constant 0 : index
    %get3A_6 = arith.constant 0 : index
    %get3A_7 = vector.load %arg1[%get3A_4, %get3A_5, %get3A_6] : memref<32x520x16xf32, #tpu.memory_space<vmem>>, vector<32x520x16xf32>
    %reduce_sum3A_8 = arith.constant dense<0.000000e+00> : vector<520x16xf32>
    %reduce_sum3A_9 = vector.multi_reduction <add>, %get3A_7, %reduce_sum3A_8 [0] : vector<32x520x16xf32> to vector<520x16xf32>
    %slice3A_10 = vector.extract_strided_slice %reduce_sum3A_9 {offsets = [0, 0], sizes = [512, 1], strides = [1, 1]} : vector<520x16xf32> to vector<512x1xf32>
    %max3A = arith.constant 1.000000e+00 : f32
    %max3A_11 = vector.broadcast %max3A : f32 to vector<512x1xf32>
    %max3A_12 = arith.maximumf %slice3A_10, %max3A_11 : vector<512x1xf32>
    %div3A = vector.broadcast %max3A_12 : vector<512x1xf32> to vector<512x16xf32>
    %div3A_13 = arith.divf %slice3A, %div3A : vector<512x16xf32>
    %iota3A = tpu.iota {dimensions = array<i32: 1>} : vector<512x16xi32>
    %broadcast_in_dim3A = arith.constant 0.000000e+00 : f32
    %broadcast_in_dim3A_14 = vector.broadcast %broadcast_in_dim3A : f32 to vector<512x16xf32>
    %reduce_max3A = arith.constant dense<0xFF800000> : vector<512xf32>
    %reduce_max3A_15 = vector.multi_reduction <maximumf>, %div3A_13, %reduce_max3A [1] : vector<512x16xf32> to vector<512xf32>
    %broadcast_in_dim3A_16 = vector.shape_cast %reduce_max3A_15 : vector<512xf32> to vector<512x1xf32>
    %eq3A = vector.broadcast %broadcast_in_dim3A_16 : vector<512x1xf32> to vector<512x16xf32>
    %eq3A_17 = arith.cmpf oeq, %div3A_13, %eq3A : vector<512x16xf32>
    %jit3A = arith.constant 16 : i32
    %broadcast_in_dim3A_18 = vector.broadcast %jit3A : i32 to vector<512x16xi32>
    %select_n3A = arith.select %eq3A_17, %iota3A, %broadcast_in_dim3A_18 : vector<512x16xi1>, vector<512x16xi32>
    %reduce_min3A = arith.constant dense<2147483647> : vector<512xi32>
    %reduce_min3A_19 = vector.multi_reduction <minsi>, %select_n3A, %reduce_min3A [1] : vector<512x16xi32> to vector<512xi32>
    %broadcast_in_dim3A_20 = vector.shape_cast %reduce_min3A_19 : vector<512xi32> to vector<512x1xi32>
    %eq3A_21 = vector.broadcast %broadcast_in_dim3A_20 : vector<512x1xi32> to vector<512x16xi32>
    %eq3A_22 = arith.cmpi eq, %iota3A, %eq3A_21 : vector<512x16xi32>
    %jit3A_23 = arith.constant -3.000000e+38 : f32
    %broadcast_in_dim3A_24 = vector.broadcast %jit3A_23 : f32 to vector<512x16xf32>
    %select_n3A_25 = arith.select %eq3A_22, %broadcast_in_dim3A_24, %div3A_13 : vector<512x16xi1>, vector<512x16xf32>
    %reduce_max3A_26 = arith.constant dense<0xFF800000> : vector<512xf32>
    %reduce_max3A_27 = vector.multi_reduction <maximumf>, %select_n3A_25, %reduce_max3A_26 [1] : vector<512x16xf32> to vector<512xf32>
    %broadcast_in_dim3A_28 = vector.shape_cast %reduce_max3A_27 : vector<512xf32> to vector<512x1xf32>
    %eq3A_29 = vector.broadcast %broadcast_in_dim3A_28 : vector<512x1xf32> to vector<512x16xf32>
    %eq3A_30 = arith.cmpf oeq, %select_n3A_25, %eq3A_29 : vector<512x16xf32>
    %jit3A_31 = arith.constant 16 : i32
    %broadcast_in_dim3A_32 = vector.broadcast %jit3A_31 : i32 to vector<512x16xi32>
    %select_n3A_33 = arith.select %eq3A_30, %iota3A, %broadcast_in_dim3A_32 : vector<512x16xi1>, vector<512x16xi32>
    %reduce_min3A_34 = arith.constant dense<2147483647> : vector<512xi32>
    %reduce_min3A_35 = vector.multi_reduction <minsi>, %select_n3A_33, %reduce_min3A_34 [1] : vector<512x16xi32> to vector<512xi32>
    %broadcast_in_dim3A_36 = vector.shape_cast %reduce_min3A_35 : vector<512xi32> to vector<512x1xi32>
    %eq3A_37 = vector.broadcast %broadcast_in_dim3A_36 : vector<512x1xi32> to vector<512x16xi32>
    %eq3A_38 = arith.cmpi eq, %iota3A, %eq3A_37 : vector<512x16xi32>
    %jit3A_39 = arith.constant -3.000000e+38 : f32
    %broadcast_in_dim3A_40 = vector.broadcast %jit3A_39 : f32 to vector<512x16xf32>
    %select_n3A_41 = arith.select %eq3A_38, %broadcast_in_dim3A_40, %select_n3A_25 : vector<512x16xi1>, vector<512x16xf32>
    %reduce_max3A_42 = arith.constant dense<0xFF800000> : vector<512xf32>
    %reduce_max3A_43 = vector.multi_reduction <maximumf>, %select_n3A_41, %reduce_max3A_42 [1] : vector<512x16xf32> to vector<512xf32>
    %broadcast_in_dim3A_44 = vector.shape_cast %reduce_max3A_43 : vector<512xf32> to vector<512x1xf32>
    %eq3A_45 = vector.broadcast %broadcast_in_dim3A_44 : vector<512x1xf32> to vector<512x16xf32>
    %eq3A_46 = arith.cmpf oeq, %select_n3A_41, %eq3A_45 : vector<512x16xf32>
    %jit3A_47 = arith.constant 16 : i32
    %broadcast_in_dim3A_48 = vector.broadcast %jit3A_47 : i32 to vector<512x16xi32>
    %select_n3A_49 = arith.select %eq3A_46, %iota3A, %broadcast_in_dim3A_48 : vector<512x16xi1>, vector<512x16xi32>
    %reduce_min3A_50 = arith.constant dense<2147483647> : vector<512xi32>
    %reduce_min3A_51 = vector.multi_reduction <minsi>, %select_n3A_49, %reduce_min3A_50 [1] : vector<512x16xi32> to vector<512xi32>
    %broadcast_in_dim3A_52 = vector.shape_cast %reduce_min3A_51 : vector<512xi32> to vector<512x1xi32>
    %eq3A_53 = vector.broadcast %broadcast_in_dim3A_52 : vector<512x1xi32> to vector<512x16xi32>
    %eq3A_54 = arith.cmpi eq, %iota3A, %eq3A_53 : vector<512x16xi32>
    %jit3A_55 = arith.constant -3.000000e+38 : f32
    %broadcast_in_dim3A_56 = vector.broadcast %jit3A_55 : f32 to vector<512x16xf32>
    %select_n3A_57 = arith.select %eq3A_54, %broadcast_in_dim3A_56, %select_n3A_41 : vector<512x16xi1>, vector<512x16xf32>
    %reduce_max3A_58 = arith.constant dense<0xFF800000> : vector<512xf32>
    %reduce_max3A_59 = vector.multi_reduction <maximumf>, %select_n3A_57, %reduce_max3A_58 [1] : vector<512x16xf32> to vector<512xf32>
    %broadcast_in_dim3A_60 = vector.shape_cast %reduce_max3A_59 : vector<512xf32> to vector<512x1xf32>
    %eq3A_61 = vector.broadcast %broadcast_in_dim3A_60 : vector<512x1xf32> to vector<512x16xf32>
    %eq3A_62 = arith.cmpf oeq, %select_n3A_57, %eq3A_61 : vector<512x16xf32>
    %jit3A_63 = arith.constant 16 : i32
    %broadcast_in_dim3A_64 = vector.broadcast %jit3A_63 : i32 to vector<512x16xi32>
    %select_n3A_65 = arith.select %eq3A_62, %iota3A, %broadcast_in_dim3A_64 : vector<512x16xi1>, vector<512x16xi32>
    %reduce_min3A_66 = arith.constant dense<2147483647> : vector<512xi32>
    %reduce_min3A_67 = vector.multi_reduction <minsi>, %select_n3A_65, %reduce_min3A_66 [1] : vector<512x16xi32> to vector<512xi32>
    %broadcast_in_dim3A_68 = vector.shape_cast %reduce_min3A_67 : vector<512xi32> to vector<512x1xi32>
    %eq3A_69 = vector.broadcast %broadcast_in_dim3A_68 : vector<512x1xi32> to vector<512x16xi32>
    %eq3A_70 = arith.cmpi eq, %iota3A, %eq3A_69 : vector<512x16xi32>
    %sub3A = arith.subf %broadcast_in_dim3A_16, %broadcast_in_dim3A_16 : vector<512x1xf32>
    %exp3A = math.exp %sub3A : vector<512x1xf32>
    %sub3A_71 = arith.subf %broadcast_in_dim3A_28, %broadcast_in_dim3A_16 : vector<512x1xf32>
    %exp3A_72 = math.exp %sub3A_71 : vector<512x1xf32>
    %sub3A_73 = arith.subf %broadcast_in_dim3A_44, %broadcast_in_dim3A_16 : vector<512x1xf32>
    %exp3A_74 = math.exp %sub3A_73 : vector<512x1xf32>
    %sub3A_75 = arith.subf %broadcast_in_dim3A_60, %broadcast_in_dim3A_16 : vector<512x1xf32>
    %exp3A_76 = math.exp %sub3A_75 : vector<512x1xf32>
    %add3A = arith.addf %exp3A, %exp3A_72 : vector<512x1xf32>
    %add3A_77 = arith.addf %add3A, %exp3A_74 : vector<512x1xf32>
    %add3A_78 = arith.addf %add3A_77, %exp3A_76 : vector<512x1xf32>
    %div3A_79 = arith.divf %exp3A, %add3A_78 : vector<512x1xf32>
    %broadcast_in_dim3A_80 = vector.shape_cast %div3A_79 : vector<512x1xf32> to vector<512x1xf32>
    %broadcast_in_dim3A_81 = vector.broadcast %broadcast_in_dim3A_80 : vector<512x1xf32> to vector<512x16xf32>
    %select_n3A_82 = arith.select %eq3A_22, %broadcast_in_dim3A_81, %broadcast_in_dim3A_14 : vector<512x16xi1>, vector<512x16xf32>
    %div3A_83 = arith.divf %exp3A_72, %add3A_78 : vector<512x1xf32>
    %broadcast_in_dim3A_84 = vector.shape_cast %div3A_83 : vector<512x1xf32> to vector<512x1xf32>
    %broadcast_in_dim3A_85 = vector.broadcast %broadcast_in_dim3A_84 : vector<512x1xf32> to vector<512x16xf32>
    %select_n3A_86 = arith.select %eq3A_38, %broadcast_in_dim3A_85, %select_n3A_82 : vector<512x16xi1>, vector<512x16xf32>
    %div3A_87 = arith.divf %exp3A_74, %add3A_78 : vector<512x1xf32>
    %broadcast_in_dim3A_88 = vector.shape_cast %div3A_87 : vector<512x1xf32> to vector<512x1xf32>
    %broadcast_in_dim3A_89 = vector.broadcast %broadcast_in_dim3A_88 : vector<512x1xf32> to vector<512x16xf32>
    %select_n3A_90 = arith.select %eq3A_54, %broadcast_in_dim3A_89, %select_n3A_86 : vector<512x16xi1>, vector<512x16xf32>
    %div3A_91 = arith.divf %exp3A_76, %add3A_78 : vector<512x1xf32>
    %broadcast_in_dim3A_92 = vector.shape_cast %div3A_91 : vector<512x1xf32> to vector<512x1xf32>
    %broadcast_in_dim3A_93 = vector.broadcast %broadcast_in_dim3A_92 : vector<512x1xf32> to vector<512x16xf32>
    %select_n3A_94 = arith.select %eq3A_70, %broadcast_in_dim3A_93, %select_n3A_90 : vector<512x16xi1>, vector<512x16xf32>
    %swap3A = arith.constant 0 : index
    %swap3A_95 = arith.constant 0 : index
    %swap3A_96 = vector.load %arg2[%swap3A, %swap3A_95] : memref<512x16xf32, #tpu.memory_space<vmem>>, vector<512x16xf32>
    tpu.vector_store %arg2[%swap3A, %swap3A_95], %select_n3A_94 {strides = array<i32>} : memref<512x16xf32, #tpu.memory_space<vmem>>, vector<512x16xf32>,
    %gt3A = arith.constant 0.000000e+00 : f32
    %gt3A_97 = vector.broadcast %gt3A : f32 to vector<512x16xf32>
    %gt3A_98 = arith.cmpf ogt, %select_n3A_94, %gt3A_97 : vector<512x16xf32>
    %convert_element_type3A = arith.extui %gt3A_98 : vector<512x16xi1> to vector<512x16xi32>
    %convert_element_type3A_99 = arith.sitofp %convert_element_type3A : vector<512x16xi32> to vector<512x16xf32>
    %reduce_sum3A_100 = arith.constant dense<0.000000e+00> : vector<16xf32>
    %reduce_sum3A_101 = vector.multi_reduction <add>, %convert_element_type3A_99, %reduce_sum3A_100 [0] : vector<512x16xf32> to vector<16xf32>
    %broadcast_in_dim3A_102 = vector.shape_cast %reduce_sum3A_101 : vector<16xf32> to vector<1x16xf32>
    %convert_element_type3A_103 = arith.fptosi %broadcast_in_dim3A_102 : vector<1x16xf32> to vector<1x16xi32>
    %swap3A_104 = arith.constant 0 : index
    %swap3A_105 = arith.constant 0 : index
    %swap3A_106 = vector.load %arg3[%swap3A_104, %swap3A_105] : memref<1x16xi32, #tpu.memory_space<vmem>>, vector<1x16xi32>
    tpu.vector_store %arg3[%swap3A_104, %swap3A_105], %convert_element_type3A_103 {strides = array<i32>} : memref<1x16xi32, #tpu.memory_space<vmem>>, vector<1x16xi32>,
    %reduce_sum3A_107 = arith.constant dense<0.000000e+00> : vector<16xf32>
    %reduce_sum3A_108 = vector.multi_reduction <add>, %select_n3A_94, %reduce_sum3A_107 [0] : vector<512x16xf32> to vector<16xf32>
    %reduce_sum3A_109 = vector.shape_cast %reduce_sum3A_108 : vector<16xf32> to vector<1x16xf32>
    %reduce_sum3A_110 = arith.constant dense<0.000000e+00> : vector<1xf32>
    %reduce_sum3A_111 = vector.multi_reduction <add>, %reduce_sum3A_109, %reduce_sum3A_110 [1] : vector<1x16xf32> to vector<1xf32>
    %reduce_sum3A_112 = vector.shape_cast %reduce_sum3A_111 : vector<1xf32> to vector<1x1xf32>
    %reduce_sum3A_113 = vector.extract %reduce_sum3A_112[0, 0] : f32 from vector<1x1xf32>
    %div3A_114 = arith.constant 1.600000e+01 : f32
    %div3A_115 = arith.divf %reduce_sum3A_113, %div3A_114 : f32
    %sub3A_116 = vector.broadcast %div3A_115 : f32 to vector<16xf32>
    %sub3A_117 = arith.subf %reduce_sum3A_108, %sub3A_116 : vector<16xf32>
    %integer_pow3A = arith.mulf %sub3A_117, %sub3A_117 : vector<16xf32>
    %reduce_sum3A_118 = vector.shape_cast %integer_pow3A : vector<16xf32> to vector<1x16xf32>
    %reduce_sum3A_119 = arith.constant dense<0.000000e+00> : vector<1xf32>
    %reduce_sum3A_120 = vector.multi_reduction <add>, %reduce_sum3A_118, %reduce_sum3A_119 [1] : vector<1x16xf32> to vector<1xf32>
    %reduce_sum3A_121 = vector.shape_cast %reduce_sum3A_120 : vector<1xf32> to vector<1x1xf32>
    %reduce_sum3A_122 = vector.extract %reduce_sum3A_121[0, 0] : f32 from vector<1x1xf32>
    %div3A_123 = arith.constant 1.500000e+01 : f32
    %div3A_124 = arith.divf %reduce_sum3A_122, %div3A_123 : f32
    %mul3A = arith.mulf %div3A_115, %div3A_115 : f32
    %add3A_125 = arith.constant 1.000000e-10 : f32
    %add3A_126 = arith.addf %mul3A, %add3A_125 : f32
    %div3A_127 = arith.divf %div3A_124, %add3A_126 : f32
    %reduce_sum3A_128 = arith.constant dense<0.000000e+00> : vector<16xf32>
    %reduce_sum3A_129 = vector.multi_reduction <add>, %broadcast_in_dim3A_102, %reduce_sum3A_128 [0] : vector<1x16xf32> to vector<16xf32>
    %reduce_sum3A_130 = vector.shape_cast %reduce_sum3A_129 : vector<16xf32> to vector<1x16xf32>
    %reduce_sum3A_131 = arith.constant dense<0.000000e+00> : vector<1xf32>
    %reduce_sum3A_132 = vector.multi_reduction <add>, %reduce_sum3A_130, %reduce_sum3A_131 [1] : vector<1x16xf32> to vector<1xf32>
    %reduce_sum3A_133 = vector.shape_cast %reduce_sum3A_132 : vector<1xf32> to vector<1x1xf32>
    %reduce_sum3A_134 = vector.extract %reduce_sum3A_133[0, 0] : f32 from vector<1x1xf32>
    %div3A_135 = arith.constant 1.600000e+01 : f32
    %div3A_136 = arith.divf %reduce_sum3A_134, %div3A_135 : f32
    %sub3A_137 = vector.broadcast %div3A_136 : f32 to vector<16xf32>
    %sub3A_138 = arith.subf %reduce_sum3A_129, %sub3A_137 : vector<16xf32>
    %integer_pow3A_139 = arith.mulf %sub3A_138, %sub3A_138 : vector<16xf32>
    %reduce_sum3A_140 = vector.shape_cast %integer_pow3A_139 : vector<16xf32> to vector<1x16xf32>
    %reduce_sum3A_141 = arith.constant dense<0.000000e+00> : vector<1xf32>
    %reduce_sum3A_142 = vector.multi_reduction <add>, %reduce_sum3A_140, %reduce_sum3A_141 [1] : vector<1x16xf32> to vector<1xf32>
    %reduce_sum3A_143 = vector.shape_cast %reduce_sum3A_142 : vector<1xf32> to vector<1x1xf32>
    %reduce_sum3A_144 = vector.extract %reduce_sum3A_143[0, 0] : f32 from vector<1x1xf32>
    %div3A_145 = arith.constant 1.500000e+01 : f32
    %div3A_146 = arith.divf %reduce_sum3A_144, %div3A_145 : f32
    %mul3A_147 = arith.mulf %div3A_136, %div3A_136 : f32
    %add3A_148 = arith.constant 1.000000e-10 : f32
    %add3A_149 = arith.addf %mul3A_147, %add3A_148 : f32
    %div3A_150 = arith.divf %div3A_146, %add3A_149 : f32
    %add3A_151 = arith.addf %div3A_127, %div3A_150 : f32
    %mul3A_152 = arith.constant 1.000000e-03 : f32
    %mul3A_153 = arith.mulf %add3A_151, %mul3A_152 : f32
    %broadcast_in_dim3A_154 = vector.broadcast %mul3A_153 : f32 to vector<1x1xf32>
    %swap3A_155 = arith.constant 0 : index
    %swap3A_156 = arith.constant 0 : index
    %swap3A_157 = vector.load %arg4[%swap3A_155, %swap3A_156] : memref<1x1xf32, #tpu.memory_space<vmem>>, vector<1x1xf32>
    tpu.vector_store %arg4[%swap3A_155, %swap3A_156], %broadcast_in_dim3A_154 {strides = array<i32>} : memref<1x1xf32, #tpu.memory_space<vmem>>, vector<1x1xf32>,
    return
  }
}

</mosaic_0001>

<sc_bundles>
// kernel: kernel.5.cloned.1.call-start
scs
__scs_entry_jumppad:
0x0: {  	(pc) =	sbr.rel $0x88, $3  }
0x1: {  	(tag) =	ssettag $0x0;
	lr =	simm.s32 $0x1  }
0x2: {  	[smem:$0x3F9D] =	sst lr;
	_ =	strace $0xD0000000  }
0x3: {  	_ = 	snop  }
0x4: {  	_ = 	snop  }
0x5: {  	_ = 	snop  }
0x6: {  	_ = 	snop  }
0x7: {  	_ = 	snop  }
__scs_overlays_trampoline_lowered:
0x8: {  	[smem:$0x3FAC] =	sst s0  }
0x9: {  	[smem:$0x3FAD] =	sst s1  }
0xa: {  	[smem:$0x3FAE] =	sst s2  }
0xb: {  	[smem:$0x3FAF] =	sst s3  }
0xc: {  	[smem:$0x3FB0] =	sst s4  }
0xd: {  	[smem:$0x3FB1] =	sst s5  }
0xe: {  	[smem:$0x3FB2] =	sst s6  }
0xf: {  	[smem:$0x3FB3] =	sst s7  }
0x10: {  	[smem:$0x3FB4] =	sst s8  }
0x11: {  	[smem:$0x3FB5] =	sst s9;
	s0 =	simm.s32 @!p0 $0x0  }
0x12: {  	s1 =	sld [smem:$0x3F9B];
	s0 =	simm.s32 @p0 $0x1  }
0x13: {  	[smem:$0x3FB6] =	sst s0;
	s0 =	simm.s32 @!p1 $0x0  }
0x14: {  	s2 =	sld [smem:$0x3F9A];
	s0 =	simm.s32 @p1 $0x1  }
0x15: {  	[smem:$0x3FB7] =	sst s0;
	s0 =	simm.s32 @!p2 $0x0  }
0x16: {  	s3 =	sld [smem:$0x3FDB];
	s0 =	simm.s32 @p2 $0x1  }
0x17: {  	s4 =	simm.s32 $0x1BF5;
	[smem:$0x3FB9] =	sst s0  }
0x18: {  	s0 =	sld [smem:$0x3F9C];
	_ =	swait.ge [sflag:s4], $0x0  }
0x19: {  	s7 =	sld [smem:$0x3F9D]  }
0x1a: {  	s8 =	sadd.s32 $0xFFFFE003, lr  }
0x1b: {  	s9 =	sadd.s32 $0xFFFFFEF7, lr;
	s5 =	simm.s32 $0xFFFFFFFF;
	p2 =	slt.u32 s8, $0xFFFFF086  }
0x1c: {  	p1 =	slt.u32 s9, $0xF7A;
	s5 =	simm.s32 @!p2 $0x0  }
0x1d: {  	s5 =	simm.s32 @p1 $0x1;
	p0 =	seq.s32 s7, s2  }
0x1e: {  	s7 =	smul.u32 @!p0 $0xF7A, s2;
	p2 =	seq.s32 @!p0 s5, $0x0  }
0x1f: {  	s9 =	smul.u32 $0xF7A, s1;
	s8 =	simm.s32 @!p0 $0x1BF5;
	p2 =	por !p2, p0  }
0x20: {  	[sflag:s8] =	ssyncset.s32 @!p0 $0xFFFFF086;
	s6 =	sadd.s32 @!p0 s3, s7;
	s7 =	simm.s32 @!p0 $0x108  }
0x21: {  	s3 =	sadd.s32 s3, s9;
	s6 =	sadd.s32 @!p0 $0x88, s6;
	s7 =	simm.s32 @p2 $0x1082  }
0x22: {  	[simem:s7], [sflag:s8] =	dma.local @!p0 [hbm:s6], $0xF7A  }
0x23: {  	s9 =	sor.u32 $0xD0000000, s2;
	s6 =	simm.s32 $0x108;
	_ =	swait.ge @!p0 [sflag:s8], $0x0  }
0x24: {  	s3 =	sadd.s32 $0x88, s3;
	s6 =	simm.s32 @!p1 $0x1082;
	[sflag:s4] =	ssyncset.s32 $0xFFFFF086  }
0x25: {  	[simem:s6], [sflag:s4] =	dma.local [hbm:s3], $0xF7A  }
0x26: {  	[smem:$0x3F9D] =	sst s1;
	(tag) =	ssettag s2;
	_ =	strace s9  }
0x27: {  	s1 =	sld [smem:$0x3FAD]  }
0x28: {  	s2 =	sld [smem:$0x3FAE]  }
0x29: {  	s4 =	sld [smem:$0x3FB0]  }
0x2a: {  	p0 =	seq.s32 s5, $0x0;
	s5 =	sld [smem:$0x3FB1]  }
0x2b: {  	s6 =	sld [smem:$0x3FB2]  }
0x2c: {  	s7 =	sld [smem:$0x3FB3]  }
0x2d: {  	s3 =	simm.s32 $0x108;
	s8 =	sld [smem:$0x3FB4]  }
0x2e: {  	s3 =	simm.s32 @!p0 $0x1082;
	s9 =	sld [smem:$0x3FB5]  }
0x2f: {  	lr =	sadd.s32 s0, s3;
	s0 =	sld [smem:$0x3FAC]  }
0x30: {  	s3 =	sld [smem:$0x3FAF]  }
0x31: {  	[smem:$0x3FB8] =	sst s10  }
0x32: {  	s10 =	sld [smem:$0x3FB6];
	_ =	sdelay $0x3  }
0x33: {  	p0 =	seq.s32 s10, $0x1;
	s10 =	sld [smem:$0x3FB8];
	_ =	sdelay $0x3  }
0x34: {  	[smem:$0x3FB8] =	sst s10  }
0x35: {  	s10 =	sld [smem:$0x3FB7];
	_ =	sdelay $0x3  }
0x36: {  	p1 =	seq.s32 s10, $0x1;
	s10 =	sld [smem:$0x3FB8];
	_ =	sdelay $0x3  }
0x37: {  	[smem:$0x3FB8] =	sst s10  }
0x38: {  	s10 =	sld [smem:$0x3FB9]  }
0x39: {  	_ = 	snop;
	(pc) =	sbr.ind lr, $3  }
0x3a: {  	_ = 	snop  }
0x3b: {  	_ = 	snop  }
0x3c: {  	p2 =	seq.s32 s10, $0x1;
	s10 =	sld [smem:$0x3FB8]  }
0x3d: {  	_ =	shalt  }
0x3e: {  	_ =	shalt  }
0x3f: {  	_ =	shalt  }
0x40: {  	_ =	shalt  }
0x41: {  	_ =	shalt  }
0x42: {  	_ =	shalt  }
0x43: {  	_ =	shalt  }
0x44: {  	_ =	shalt  }
0x45: {  	_ =	shalt  }
0x46: {  	_ =	shalt  }
0x47: {  	_ =	shalt  }
0x48: {  	_ =	shalt  }
0x49: {  	_ =	shalt  }
0x4a: {  	_ =	shalt  }
0x4b: {  	_ =	shalt  }
0x4c: {  	_ =	shalt  }
0x4d: {  	_ =	shalt  }
0x4e: {  	_ =	shalt  }
0x4f: {  	_ =	shalt  }
0x50: {  	_ =	shalt  }
0x51: {  	_ =	shalt  }
0x52: {  	_ =	shalt  }
0x53: {  	_ =	shalt  }
0x54: {  	_ =	shalt  }
0x55: {  	_ =	shalt  }
0x56: {  	_ =	shalt  }
0x57: {  	_ =	shalt  }
0x58: {  	_ =	shalt  }
0x59: {  	_ =	shalt  }
0x5a: {  	_ =	shalt  }
0x5b: {  	_ =	shalt  }
0x5c: {  	_ =	shalt  }
0x5d: {  	_ =	shalt  }
0x5e: {  	_ =	shalt  }
0x5f: {  	_ =	shalt  }
0x60: {  	_ =	shalt  }
0x61: {  	_ =	shalt  }
0x62: {  	_ =	shalt  }
0x63: {  	_ =	shalt  }
0x64: {  	_ =	shalt  }
0x65: {  	_ =	shalt  }
0x66: {  	_ =	shalt  }
0x67: {  	_ =	shalt  }
0x68: {  	_ =	shalt  }
0x69: {  	_ =	shalt  }
0x6a: {  	_ =	shalt  }
0x6b: {  	_ =	shalt  }
0x6c: {  	_ =	shalt  }
0x6d: {  	_ =	shalt  }
0x6e: {  	_ =	shalt  }
0x6f: {  	_ =	shalt  }
0x70: {  	_ =	shalt  }
0x71: {  	_ =	shalt  }
0x72: {  	_ =	shalt  }
0x73: {  	_ =	shalt  }
0x74: {  	_ =	shalt  }
0x75: {  	_ =	shalt  }
0x76: {  	_ =	shalt  }
0x77: {  	_ =	shalt  }
0x78: {  	_ =	shalt  }
0x79: {  	_ =	shalt  }
0x7a: {  	_ =	shalt  }
0x7b: {  	_ =	shalt  }
0x7c: {  	_ =	shalt  }
0x7d: {  	_ =	shalt  }
0x7e: {  	_ =	shalt  }
0x7f: {  	_ =	shalt  }
0x80: {  	_ =	shalt  }
0x81: {  	_ =	shalt  }
0x82: {  	_ =	shalt  }
0x83: {  	_ =	shalt  }
0x84: {  	_ =	shalt  }
0x85: {  	_ =	shalt  }
0x86: {  	_ =	shalt  }
0x87: {  	_ =	shalt  }
.Lfunc_end0:
.L_simem_size_0:
called_computation_lowered:
.L_overlay_start_0:
0x88: {  	s2 =	sld [smem:$0x3FD9]  }
0x89: {  	s3 =	sld [smem:$0x3FFE];
	_ =	sdelay $0x1  }
0x8a: {  	s1 =	srdreg.scid  }
0x8b: {  	s0 =	sand.u32 $0x1, s1  }
0x8c: {  	s16 =	sshll.u32 s0, $0xA;
	s2 =	sadd.s32 s3, s2  }
0x8d: {  	s2 =	sadd.s32 s2, s16  }
0x8e: {  	[smem:$0x3FC4] =	sst s2  }
0x8f: {  	_ = 	snop  }
0x90: {  	(tm) =	ssettm $0x1  }
0x91: {  	s17 =	sld [smem:$0x3FFB];
	_ =	sdelay $0x3  }
0x92: {  	_ =	strace s17  }
0x93: {  	s2 =	sld [smem:$0x3FFC];
	_ =	sdelay $0x3  }
0x94: {  	_ =	strace s2  }
0x95: {  	s2 =	sld [smem:$0x3FFD];
	_ =	sdelay $0x3  }
0x96: {  	_ =	strace s2  }
0x97: {  	_ =	strace $0x8FFFFFFF  }
0x98: {  	s18 =	sld [smem:$0x3FDB];
	_ =	sdelay $0x1  }
0x99: {  	s19 =	simm.s32 $_scs_section_size  }
0x9a: {  	s4 =	simm.s32 $_size__tile_overlayer_lowered;
	s5 =	simm.s32 $_tile_overlayer_lowered  }
0x9b: {  	s22 =	simm.s32 $0x1BFF;
	s21 =	sshll.u32 s5, $0x1;
	s2 =	sadd.s32 s19, s18  }
0x9c: {  	s6 =	simm.s32 $0x0;
	s20 =	sshll.u32 s4, $0x1;
	s4 =	sadd.s32 s21, s2  }
0x9d: {  	[timem:s6], [sflag:s22] =	dma.local [hbm:s4], s20  }
0x9e: {  	_ =	swait.ge [sflag:s22], s20  }
0x9f: {  	s3 =	ssub.s32 $0x0, s20;
	[sflag:s22] =	ssyncset.done $0x0  }
0xa0: {  	[sflag:s22] =	ssyncadd.s32 s3;
	_ =	sdelay $0x1  }
0xa1: {  	s23 =	simm.s32 $0x1B8B  }
0xa2: {  	_ =	swait.ge [sflag:s23], $0x1  }
0xa3: {  	[sflag:s23] =	ssyncset.done $0x0  }
0xa4: {  	s25 =	simm.s32 $0x1B8E;
	s24 =	sld [smem:$0x3FFE];
	[sflag:s23] =	ssyncadd.s32 $0xFFFFFFFF  }
0xa5: {  	s26 =	simm.s32 $execute0_lowered;
	[smem:$0x3FD2] =	sst s25  }
0xa6: {  	s4 =	sshll.u32 s26, $0x1;
	_ =	strace $0x80000046;
	[dreg:$0x1] =	wrdreg $0xFFFFFFFF  }
0xa7: {  	s28 =	simm.s32 $_size_execute0_lowered;
	s2 =	sadd.s32 s2, s4;
	[dreg:$0x0] =	wrdreg $0x0  }
0xa8: {  	s4 =	sshll.u32 s28, $0x1;
	[dreg:$0x2] =	wrdreg s2  }
0xa9: {  	[dreg:$0x3] =	wrdreg s4  }
0xaa: {  	[dreg:$0x4] =	wrdreg $0xC0  }
0xab: {  	_ =	task [dreg:s6], $0x5FFFF  }
0xac: {  	[dreg:$0x1] =	wrdreg $0xFFFFFFFF  }
0xad: {  	[dreg:$0x0] =	wrdreg $0x60  }
0xae: {  	[dreg:$0x2] =	wrdreg s24  }
0xaf: {  	[dreg:$0x3] =	wrdreg $0x9  }
0xb0: {  	_ =	task.clear_ibuf [dreg:s6], $0x4FFFF;
	_ =	strace $0x90000046  }
0xb1: {  	s29 =	simm.s32 $0x9;
	_ =	strace $0x80000048  }
0xb2: {  	_ =	swait.ge [sflag:s29], $0x1  }
0xb3: {  	[sflag:s29] =	ssyncadd.s32 $0xFFFFFFFF  }
0xb4: {  	_ =	strace $0x90000048  }
0xb5: {  	_ =	sfence  }
0xb6: {  	s30 =	sld [smem:$0x0];
	_ =	sdelay $0x2  }
0xb7: {  	s31 =	sshll.u32 s1, $0xD;
	s1 =	sshrl.u32 s1, $0x2  }
0xb8: {  	s3 =	sand.u32 $0x4000, s31;
	s1 =	sadd.s32 s1, s30  }
0xb9: {  	s0 =	sor.u32 s3, s0;
	s1 =	sshll.u32 s1, $0x11  }
0xba: {  	s0 =	sor.u32 s1, s0  }
0xbb: {  	s0 =	sadd.s32 $0x8F2B, s0  }
0xbc: {  	[sflag:s0] =	ssyncadd.remote.s32 $0x1  }
0xbd: {  	_ =	sfence.sel $0xFFFF  }
0xbe: {  	[dreg:$0x0] =	wrdreg $0xFFFFFFFF;
	(pc) =	sbr.abs _section_cstart, $3  }
0xbf: {  	[dreg:$0x1] =	wrdreg $0xFFFFFFFF  }
0xc0: {  	_ =	task.clear_ibuf [dreg:s6], $0x2FFFF;
	_ =	strace $0x9FFFFFFF  }
0xc1: {  	(tm) =	ssettm $0x7FFFFFFF  }
tec
execute0_lowered:
.L_overlay_start_1:
0x0: {  	(tag) =	ssettag $0x1  }
0x1: {  	s1 =	srdreg.scid  }
0x2: {  	s0 =	stileid.u32;
	s4 =	rddreg [dreg:$0x0]  }
0x3: {  	s2 =	simm.s32 $0x0;
	s3 =	sand.u32 $0x1, s1;
	s31 =	sshll.u32 s0, $0x1  }
0x4: {  	s9 =	simm.s32 $0x1;
	s10 =	simm.s32 $0x2800;
	s5 =	sor.u32 s3, s31  }
0x5: {  	s11 =	simm.s32 $0x4880;
	s12 =	simm.s32 $0x0;
	s6 =	smul.u32 $0x280, s5  }
0x6: {  	[smem:$0x7FF] =	sst s2;
	s3 =	ssub.s32 $0x2, s3;
	s5 =	smul.u32 $0x410, s5  }
0x7: {  	s1 =	rddreg [dreg:$0x1];
	_ =	strace $0x80000047;
	s7 =	sshrl.u32 s3, $0x1  }
0x8: {  	s7 =	ssub.s32 s3, s7;
	s6 =	sadd.s32 s6, s4;
	s8 =	sadd.s32 s5, s4  }
0x9: {  	v0 =	vimm.f32 $0.0e+00;
	vm0 =	vcmask $0x300;
	s7 =	smax.u32 s7, $0x1;
	s3 =	sadd.s32 $0xA00, s6;
	s4 =	sadd.s32 $0x5A00, s6  }
0xa: {  	v1 =	vsel vm0, $0x3F800000, v0;
	s5 =	sadd.s32 $0xAA00, s8;
	s6 =	sadd.s32 $0x12C00, s8;
	s8 =	simm.s32 $0x1400  }
.LBB2_1:
0xb: {  	[tilespmem:s2], [sflag:$0x1] =	stream.linear.gather [hbm4b:s3+s2], $0x1400, $0x38;
	[tilespmem:$0x6900] =	vst v63  }
0xc: {  	s13 =	simm.s32 $0x40;
	s14 =	simm.s32 $0x0  }
0xd: {  	[tilespmem:s8], [sflag:$0x1] =	stream.linear.gather [hbm4b:s4+s2], $0x1400, $0x38;
	[tilespmem:$0x6900] =	vst v63  }
.LBB2_2:
0xe: {  	p0 =	sne.s32 s13, $0x81C0;
	[tilespmem:s14+$0x2800] =	vst v0;
	s15 =	smov.u32 s13;
	s13 =	sadd.s32 $0x40, s13  }
.Ltmp0:
0xf: {  	[tilespmem:s14+$0x4880] =	vst v0;
	(pc) =	sbr.rel @p0 .LBB2_2-.Ltmp0, $2  }
0x10: {  	_ =	sdelay $0x2  }
0x11: {  	s14 =	sshra.s32 s15, $0x2  }
0x12: {  	[tilespmem:s14+$0x2800] =	vst v0  }
0x13: {  	[tilespmem:s14+$0x4880] =	vst v0  }
0x14: {  	_ =	swait.ge [sflag:s9], $0x1400  }
0x15: {  	[sflag:s9] =	ssyncset.done $0x0  }
0x16: {  	[sflag:s9] =	ssyncadd.s32 $0xFFFFEC00  }
0x17: {  	_ =	swait.ge [sflag:s9], $0x1400  }
0x18: {  	[sflag:s9] =	ssyncset.done $0x0  }
0x19: {  	s14 =	simm.s32 $0x0;
	[sflag:s9] =	ssyncadd.s32 $0xFFFFEC00  }
0x1a: {  	s13 =	simm.s32 $0x40;
	v2 =	vld [tilespmem:s14+$0x1400]  }
.LBB2_4:
0x1b: {  	p0 =	sne.s32 s13, $0x4FC0;
	_ =	sdelay $0x1  }
0x1c: {  	v3 =	vld [tilespmem:s14+$0x0];
	_ =	sdelay $0x2  }
.Ltmp1:
0x1d: {  	(pc) =	sbr.rel @p0 .LBB2_4-.Ltmp1, $4  }
0x1e: {  	_ = 	snop  }
0x1f: {  	[tilespmem:v2+s10+$0x0] =	vst.idx.add.f32.msk $0xffff, v3  }
0x20: {  	s14 =	sshra.s32 s13, $0x2;
	[tilespmem:v2+s11+$0x0] =	vst.idx.add.f32.msk $0xffff, v1  }
0x21: {  	s13 =	sadd.s32 $0x40, s13;
	v2 =	vld [tilespmem:s14+$0x1400]  }
0x22: {  	_ =	sdelay $0x2  }
0x23: {  	v3 =	vld [tilespmem:s14+$0x0];
	_ =	sdelay $0x4  }
0x24: {  	[tilespmem:v2+s10+$0x0] =	vst.idx.add.f32.msk $0xffff, v3  }
0x25: {  	[tilespmem:v2+s11+$0x0] =	vst.idx.add.f32.msk $0xffff, v1  }
0x26: {  	[hbm4b:s5+s2] =	stream.linear.scatter [tilespmem:s10], [sflag:$0x1], $0x2080, $0x38;
	[tilespmem:$0x6900] =	vst v63  }
0x27: {  	s12 =	sadd.s32 $0x1, s12  }
0x28: {  	[hbm4b:s6+s2] =	stream.linear.scatter [tilespmem:s11], [sflag:$0x1], $0x2080, $0x38;
	[tilespmem:$0x6900] =	vst v63  }
0x29: {  	p0 =	sne.s32 s12, s7;
	_ =	swait.ge [sflag:s9], $0x2080  }
.Ltmp2:
0x2a: {  	[sflag:s9] =	ssyncset.done $0x0;
	(pc) =	sbr.rel @p0 .LBB2_1-.Ltmp2, $4  }
0x2b: {  	[sflag:s9] =	ssyncadd.s32 $0xFFFFDF80  }
0x2c: {  	_ =	swait.ge [sflag:s9], $0x2080  }
0x2d: {  	[sflag:s9] =	ssyncset.done $0x0  }
0x2e: {  	[sflag:s9] =	ssyncadd.s32 $0xFFFFDF80  }
0x2f: {  	_ =	sfence.sel $0x180000  }
0x30: {  	[bflag:$0x0] =	sbarrier.arrive $0xFFFF  }
0x31: {  	p0 =	sne.s32 s0, $0x0;
	_ =	strace $0x90000047  }
0x32: {  	s0 =	sadd.s32 @!p0 $0x100000, s1;
	[bflag:$0x2] =	sbarrier.arrive $0xFFFF  }
0x33: {  	[sflag:s0] =	ssyncadd.tile.s32 @!p0 $0x1;
	_ =	shalt  }
.Lfunc_end2:
_tile_overlayer_lowered:
.L_overlay_start_2:
0x34: {  	(tag) =	ssettag $0x2  }
0x35: {  	s0 =	rddreg [dreg:$0x0];
	s2 =	stileid.u32  }
0x36: {  	s1 =	rddreg [dreg:$0x1];
	p0 =	sne.s32 s2, $0x0  }
0x37: {  	s3 =	rddreg [dreg:$0x2];
	[bflag:$0x3] =	sbarrier.arrive $0xFFFF;
	s2 =	simm.s32 @!p0 $0x1C02  }
0x38: {  	[timem:s3], [sflag:s2] =	dma.local @!p0 [hbm:s0], s1  }
0x39: {  	s0 =	simm.s32 @!p0 $0x2  }
0x3a: {  	_ =	swait.ge @!p0 [sflag:s0], s1  }
0x3b: {  	s1 =	ssub.s32 @!p0 $0x0, s1;
	[sflag:s0] =	ssyncset.done @!p0 $0x0  }
0x3c: {  	[sflag:s0] =	ssyncadd.s32 @!p0 s1  }
0x3d: {  	[bflag:$0x3] =	sbarrier.arrive $0xFFFF  }
0x3e: {  	_ =	shalt  }

</sc_bundles>
